<compile_context>
chip_gen: v7x
topology: tpu7x:2x2x1
jax: 0.10.2.dev20260603
libtpu: 0.0.44.dev20260713+nightly
codegen_flags: <defaults>
</compile_context>

<pallas_src>
import jax
import jax.numpy as jnp
from jax import lax
from jax.experimental import pallas as pl
from jax.experimental.pallas import tpu as pltpu
from jax.experimental.pallas import tpu_sc as plsc

_R = 256
_C = 512
_DEPTH = 8


def _sc_body(emb_hbm, out_hbm, emb_v, strip_v, sem):
    Sq = out_hbm.shape[0]
    n_emb = emb_v.shape[0]
    max_pos = (n_emb - 1) // 2
    d = emb_v.shape[1]
    strip_rows = _C + _R - 1

    wid = lax.axis_index("c") * 16 + lax.axis_index("s")
    ib = wid // 4
    jb = wid % 4
    i0 = ib * _R
    j0 = jb * _C
    s_lo = (Sq - 1) - (i0 + _R - 1) + j0

    pltpu.sync_copy(emb_hbm, emb_v)

    def build(t, carry):
        u = jnp.clip(s_lo + t - (Sq - 1), -max_pos, max_pos) + max_pos
        for m in range(d // 16):
            strip_v[t, pl.ds(m * 16, 16)] = emb_v[u, pl.ds(m * 16, 16)]
        return carry

    lax.fori_loop(0, strip_rows, build, 0)

    def descr(r):
        return pltpu.make_async_copy(
            strip_v.at[pl.ds((_R - 1) - r, _C), :],
            out_hbm.at[i0 + r, pl.ds(j0, _C), :],
            sem,
        )

    def fire(r, carry):
        @pl.when(r >= _DEPTH)
        def _():
            descr(r - _DEPTH).wait()

        descr(r).start()
        return carry

    lax.fori_loop(0, _R, fire, 0)
    for r in range(_R - _DEPTH, _R):
        descr(r).wait()


def kernel(q, v, embeddings):
    Sq = q.shape[1]
    Sv = v.shape[1]
    n_emb, d = embeddings.shape
    mesh = plsc.VectorSubcoreMesh(core_axis_name="c", subcore_axis_name="s")
    run = pl.kernel(
        _sc_body,
        out_type=jax.ShapeDtypeStruct((Sq, Sv, d), embeddings.dtype),
        mesh=mesh,
        scratch_types=[
            pltpu.VMEM((n_emb, d), embeddings.dtype),
            pltpu.VMEM((_C + _R, d), embeddings.dtype),
            pltpu.SemaphoreType.DMA,
        ],
        compiler_params=pltpu.CompilerParams(use_tc_tiling_on_sc=True),
    )
    return run(embeddings)

# --- scband reference (transcript-rebuilt; emitter-appended) ---
"""Pipeline reference for scband-relative-position-embedding-79087527788721 (READ-ONLY COPY).

The authoritative reference and input builder live on the scoring server;
editing this copy changes nothing except your own understanding.
"""

import jax, jax.numpy as jnp
import numpy as np

INPUT_DIM = 129
OUTPUT_DIM = 64


def setup_inputs(seed: int = 0) -> dict:
    key = jax.random.key(seed)
    k1, k2, k3 = jax.random.split(key, 3)
    q = jax.random.normal(k1, (2, 2048, 1024), dtype=jnp.float32)
    v = jax.random.normal(k2, (2, 2048, 1024), dtype=jnp.float32)
    embeddings = jax.random.normal(k3, (INPUT_DIM, OUTPUT_DIM), dtype=jnp.float32)
    return {"q": q, "v": v, "embeddings": embeddings}


def reference(q, v, embeddings):
    # compute_position_idx: relative positions clipped to [-max_pos, max_pos], shifted to [0, input_dim-1]
    q_idx = jnp.arange(0, q.shape[1], dtype=jnp.int32)[:, None]
    v_idx = jnp.arange(0, v.shape[1], dtype=jnp.int32)[None, :]
    position_idx = v_idx - q_idx
    max_position = (INPUT_DIM - 1) // 2
    position_idx = jnp.clip(position_idx, -max_position, max_position)
    position_idx = position_idx + max_position
    # K.gather(embeddings, relative_position_idx) -> [Sq, Sv, output_dim]
    return jnp.take(embeddings, position_idx, axis=0)

if __name__ == "__main__":
    import jax
    _d = setup_inputs()
    print(jax.jit(kernel)(*tuple(_d.values())))

</pallas_src>

<mosaic_0001>
#map = affine_map<(d0, d1) -> (0, 0)>
#map1 = affine_map<(d0, d1) -> (0, 0, 0)>
module attributes {stable_mosaic.version = 14 : i64} {
  func.func @_sc_body(%arg0: i32, %arg1: i32, %arg2: memref<129x64xf32, #tpu.memory_space<hbm>>, %arg3: memref<2048x2048x64xf32, #tpu.memory_space<hbm>>, %arg4: memref<129x64xf32, #tpu.memory_space<vmem>>, %arg5: memref<768x64xf32, #tpu.memory_space<vmem>>, %arg6: memref<!tpu.dma_semaphore, #tpu.memory_space<semaphore_mem>>) attributes {dimension_semantics = [#tpu.dimension_semantics<core_parallel>, #tpu.dimension_semantics<subcore_parallel>], iteration_bounds = array<i64: 2, 16>, scalar_prefetch = 0 : i64, scratch_operands = 3 : i64, tpu.core_type = #tpu.core_type<sc_vector_subcore>, window_params = [{transform_indices = #map}, {transform_indices = #map1}]} {
    %mul3A = arith.constant 16 : i32
    %mul3A_0 = arith.muli %arg0, %mul3A : i32
    %add3A = arith.addi %mul3A_0, %arg1 : i32
    %jit3A = arith.constant 4 : i32
    %div3A = arith.divsi %add3A, %jit3A : i32
    %sign3A = arith.constant 0 : i32
    %sign3A_1 = arith.cmpi sgt, %add3A, %sign3A : i32
    %sign3A_2 = arith.extui %sign3A_1 : i1 to i32
    %sign3A_3 = arith.constant 0 : i32
    %sign3A_4 = arith.cmpi slt, %add3A, %sign3A_3 : i32
    %sign3A_5 = arith.extui %sign3A_4 : i1 to i32
    %sign3A_6 = arith.subi %sign3A_2, %sign3A_5 : i32
    %sign3A_7 = arith.constant 0 : i32
    %sign3A_8 = arith.cmpi sgt, %jit3A, %sign3A_7 : i32
    %sign3A_9 = arith.extui %sign3A_8 : i1 to i32
    %sign3A_10 = arith.constant 0 : i32
    %sign3A_11 = arith.cmpi slt, %jit3A, %sign3A_10 : i32
    %sign3A_12 = arith.extui %sign3A_11 : i1 to i32
    %sign3A_13 = arith.subi %sign3A_9, %sign3A_12 : i32
    %ne3A = arith.cmpi ne, %sign3A_6, %sign3A_13 : i32
    %rem3A = arith.remsi %add3A, %jit3A : i32
    %ne3A_14 = arith.constant 0 : i32
    %ne3A_15 = arith.cmpi ne, %rem3A, %ne3A_14 : i32
    %and3A = arith.andi %ne3A, %ne3A_15 : i1
    %sub3A = arith.constant 1 : i32
    %sub3A_16 = arith.subi %div3A, %sub3A : i32
    %select_n3A = arith.select %and3A, %sub3A_16, %div3A : i32
    %jit3A_17 = arith.constant 4 : i32
    %eq3A = arith.constant 0 : i32
    %eq3A_18 = arith.cmpi eq, %jit3A_17, %eq3A : i32
    %jit3A_19 = arith.constant 1 : i32
    %select_n3A_20 = arith.select %eq3A_18, %jit3A_19, %jit3A_17 : i32
    %rem3A_21 = arith.remsi %add3A, %select_n3A_20 : i32
    %ne3A_22 = arith.constant 0 : i32
    %ne3A_23 = arith.cmpi ne, %rem3A_21, %ne3A_22 : i32
    %lt3A = arith.constant 0 : i32
    %lt3A_24 = arith.cmpi slt, %rem3A_21, %lt3A : i32
    %lt3A_25 = arith.constant 0 : i32
    %lt3A_26 = arith.cmpi slt, %select_n3A_20, %lt3A_25 : i32
    %ne3A_27 = arith.xori %lt3A_24, %lt3A_26 : i1
    %and3A_28 = arith.andi %ne3A_27, %ne3A_23 : i1
    %add3A_29 = arith.addi %rem3A_21, %select_n3A_20 : i32
    %select_n3A_30 = arith.select %and3A_28, %add3A_29, %rem3A_21 : i32
    %mul3A_31 = arith.constant 256 : i32
    %mul3A_32 = arith.muli %select_n3A, %mul3A_31 : i32
    %mul3A_33 = arith.constant 512 : i32
    %mul3A_34 = arith.muli %select_n3A_30, %mul3A_33 : i32
    %add3A_35 = arith.constant 256 : i32
    %add3A_36 = arith.addi %mul3A_32, %add3A_35 : i32
    %sub3A_37 = arith.constant 1 : i32
    %sub3A_38 = arith.subi %add3A_36, %sub3A_37 : i32
    %sub3A_39 = arith.constant 2047 : i32
    %sub3A_40 = arith.subi %sub3A_39, %sub3A_38 : i32
    %add3A_41 = arith.addi %sub3A_40, %mul3A_34 : i32
    "tpu.region"() ({
      %run_scoped3A = tpu.sem_alloc : memref<!tpu.dma_semaphore, #tpu.memory_space<semaphore_mem>>
      tpu.enqueue_dma source(%arg2 : memref<129x64xf32, #tpu.memory_space<hbm>>) target(%arg4 : memref<129x64xf32, #tpu.memory_space<vmem>>) target_semaphore(%run_scoped3A : memref<!tpu.dma_semaphore, #tpu.memory_space<semaphore_mem>>)
      tpu.wait_dma2 semaphore(%run_scoped3A : memref<!tpu.dma_semaphore, #tpu.memory_space<semaphore_mem>>) src(%arg2 : memref<129x64xf32, #tpu.memory_space<hbm>>) dst(%arg4 : memref<129x64xf32, #tpu.memory_space<vmem>>)
      tpu.yield
    }) : () -> ()
    %scan3A = arith.constant 0 : i32
    %scan3A_42 = arith.constant 0 : i32
    %scan3A_43 = arith.constant 767 : i32
    %scan3A_44 = arith.addi %scan3A_42, %scan3A_43 : i32
    %scan3A_45 = arith.constant 1 : i32
    scf.for %scan3A_164 = %scan3A_42 to %scan3A_44 step %scan3A_45  : i32 {
      %add3A_165 = arith.addi %add3A_41, %scan3A_164 : i32
      %sub3A_166 = arith.constant 2047 : i32
      %sub3A_167 = arith.subi %add3A_165, %sub3A_166 : i32
      %jit3A_168 = arith.constant -64 : i32
      %jit3A_169 = arith.constant 64 : i32
      %max3A = arith.maxsi %jit3A_168, %sub3A_167 : i32
      %min3A = arith.minsi %jit3A_169, %max3A : i32
      %add3A_170 = arith.constant 64 : i32
      %add3A_171 = arith.addi %min3A, %add3A_170 : i32
      %get3A = arith.index_cast %add3A_171 : i32 to index
      %get3A_172 = arith.constant 0 : index
      %get3A_173 = tpu.vector_load %arg4[%get3A, %get3A_172] {strides = array<i32>} : memref<129x64xf32, #tpu.memory_space<vmem>>, vector<1x16xf32>,
      %get3A_174 = vector.shape_cast %get3A_173 : vector<1x16xf32> to vector<16xf32>
      %swap3A = arith.index_cast %scan3A_164 : i32 to index
      %swap3A_175 = arith.constant 0 : index
      %swap3A_176 = tpu.vector_load %arg5[%swap3A, %swap3A_175] {strides = array<i32>} : memref<768x64xf32, #tpu.memory_space<vmem>>, vector<1x16xf32>,
      %swap3A_177 = vector.shape_cast %swap3A_176 : vector<1x16xf32> to vector<16xf32>
      %swap3A_178 = vector.shape_cast %get3A_174 : vector<16xf32> to vector<1x16xf32>
      tpu.vector_store %arg5[%swap3A, %swap3A_175], %swap3A_178 {strides = array<i32>} : memref<768x64xf32, #tpu.memory_space<vmem>>, vector<1x16xf32>,
      %get3A_179 = arith.index_cast %add3A_171 : i32 to index
      %get3A_180 = arith.constant 16 : index
      %get3A_181 = tpu.vector_load %arg4[%get3A_179, %get3A_180] {strides = array<i32>} : memref<129x64xf32, #tpu.memory_space<vmem>>, vector<1x16xf32>,
      %get3A_182 = vector.shape_cast %get3A_181 : vector<1x16xf32> to vector<16xf32>
      %swap3A_183 = arith.index_cast %scan3A_164 : i32 to index
      %swap3A_184 = arith.constant 16 : index
      %swap3A_185 = tpu.vector_load %arg5[%swap3A_183, %swap3A_184] {strides = array<i32>} : memref<768x64xf32, #tpu.memory_space<vmem>>, vector<1x16xf32>,
      %swap3A_186 = vector.shape_cast %swap3A_185 : vector<1x16xf32> to vector<16xf32>
      %swap3A_187 = vector.shape_cast %get3A_182 : vector<16xf32> to vector<1x16xf32>
      tpu.vector_store %arg5[%swap3A_183, %swap3A_184], %swap3A_187 {strides = array<i32>} : memref<768x64xf32, #tpu.memory_space<vmem>>, vector<1x16xf32>,
      %get3A_188 = arith.index_cast %add3A_171 : i32 to index
      %get3A_189 = arith.constant 32 : index
      %get3A_190 = tpu.vector_load %arg4[%get3A_188, %get3A_189] {strides = array<i32>} : memref<129x64xf32, #tpu.memory_space<vmem>>, vector<1x16xf32>,
      %get3A_191 = vector.shape_cast %get3A_190 : vector<1x16xf32> to vector<16xf32>
      %swap3A_192 = arith.index_cast %scan3A_164 : i32 to index
      %swap3A_193 = arith.constant 32 : index
      %swap3A_194 = tpu.vector_load %arg5[%swap3A_192, %swap3A_193] {strides = array<i32>} : memref<768x64xf32, #tpu.memory_space<vmem>>, vector<1x16xf32>,
      %swap3A_195 = vector.shape_cast %swap3A_194 : vector<1x16xf32> to vector<16xf32>
      %swap3A_196 = vector.shape_cast %get3A_191 : vector<16xf32> to vector<1x16xf32>
      tpu.vector_store %arg5[%swap3A_192, %swap3A_193], %swap3A_196 {strides = array<i32>} : memref<768x64xf32, #tpu.memory_space<vmem>>, vector<1x16xf32>,
      %get3A_197 = arith.index_cast %add3A_171 : i32 to index
      %get3A_198 = arith.constant 48 : index
      %get3A_199 = tpu.vector_load %arg4[%get3A_197, %get3A_198] {strides = array<i32>} : memref<129x64xf32, #tpu.memory_space<vmem>>, vector<1x16xf32>,
      %get3A_200 = vector.shape_cast %get3A_199 : vector<1x16xf32> to vector<16xf32>
      %swap3A_201 = arith.index_cast %scan3A_164 : i32 to index
      %swap3A_202 = arith.constant 48 : index
      %swap3A_203 = tpu.vector_load %arg5[%swap3A_201, %swap3A_202] {strides = array<i32>} : memref<768x64xf32, #tpu.memory_space<vmem>>, vector<1x16xf32>,
      %swap3A_204 = vector.shape_cast %swap3A_203 : vector<1x16xf32> to vector<16xf32>
      %swap3A_205 = vector.shape_cast %get3A_200 : vector<16xf32> to vector<1x16xf32>
      tpu.vector_store %arg5[%swap3A_201, %swap3A_202], %swap3A_205 {strides = array<i32>} : memref<768x64xf32, #tpu.memory_space<vmem>>, vector<1x16xf32>,
    }
    %scan3A_46 = arith.constant 767 : i32
    %scan3A_47 = arith.constant 0 : i32
    %scan3A_48 = arith.constant 0 : i32
    %scan3A_49 = arith.constant 256 : i32
    %scan3A_50 = arith.addi %scan3A_48, %scan3A_49 : i32
    %scan3A_51 = arith.constant 1 : i32
    scf.for %scan3A_164 = %scan3A_48 to %scan3A_50 step %scan3A_51  : i32 {
      %ge3A = arith.constant 8 : i32
      %ge3A_165 = arith.cmpi sge, %scan3A_164, %ge3A : i32
      %convert_element_type3A = arith.extui %ge3A_165 : i1 to i32
      %cond3A = arith.constant 0 : i32
      %cond3A_166 = arith.cmpi ne, %convert_element_type3A, %cond3A : i32
      scf.if %cond3A_166 {
        %sub3A_179 = arith.constant 8 : i32
        %sub3A_180 = arith.subi %scan3A_164, %sub3A_179 : i32
        %sub3A_181 = arith.constant 255 : i32
        %sub3A_182 = arith.subi %sub3A_181, %sub3A_180 : i32
        %add3A_183 = arith.addi %mul3A_32, %sub3A_180 : i32
        %dma_wait3A_184 = arith.constant 0 : i32
        %dma_wait3A_185 = tpu.memref_slice %arg5[%sub3A_182, %dma_wait3A_184] : memref<768x64xf32, #tpu.memory_space<vmem>> -> memref<512x64xf32, #tpu.memory_space<vmem>>
        %dma_wait3A_186 = arith.constant 0 : i32
        %dma_wait3A_187 = tpu.memref_slice %arg3[%add3A_183, %mul3A_34, %dma_wait3A_186] : memref<2048x2048x64xf32, #tpu.memory_space<hbm>> -> memref<1x512x64xf32, #tpu.memory_space<hbm>>
        %dma_wait3A_188 = tpu.memref_squeeze %dma_wait3A_187 : memref<1x512x64xf32, #tpu.memory_space<hbm>> -> memref<512x64xf32, #tpu.memory_space<hbm>>
        %dma_wait3A_189 = arith.constant 0 : i32
        %dma_wait3A_190 = tpu.memref_slice %arg3[%add3A_183, %mul3A_34, %dma_wait3A_189] : memref<2048x2048x64xf32, #tpu.memory_space<hbm>> -> memref<1x512x64xf32, #tpu.memory_space<hbm>>
        %dma_wait3A_191 = tpu.memref_squeeze %dma_wait3A_190 : memref<1x512x64xf32, #tpu.memory_space<hbm>> -> memref<512x64xf32, #tpu.memory_space<hbm>>
        %dma_wait3A_192 = arith.constant 0 : i32
        %dma_wait3A_193 = tpu.memref_slice %arg5[%sub3A_182, %dma_wait3A_192] : memref<768x64xf32, #tpu.memory_space<vmem>> -> memref<512x64xf32, #tpu.memory_space<vmem>>
        tpu.wait_dma2 semaphore(%arg6 : memref<!tpu.dma_semaphore, #tpu.memory_space<semaphore_mem>>) src(%dma_wait3A_193 : memref<512x64xf32, #tpu.memory_space<vmem>>) dst(%dma_wait3A_191 : memref<512x64xf32, #tpu.memory_space<hbm>>)
      } else {
      }
      %sub3A_167 = arith.constant 255 : i32
      %sub3A_168 = arith.subi %sub3A_167, %scan3A_164 : i32
      %add3A_169 = arith.addi %mul3A_32, %scan3A_164 : i32
      %dma_start3A = arith.constant 0 : i32
      %dma_start3A_170 = tpu.memref_slice %arg5[%sub3A_168, %dma_start3A] : memref<768x64xf32, #tpu.memory_space<vmem>> -> memref<512x64xf32, #tpu.memory_space<vmem>>
      %dma_start3A_171 = arith.constant 0 : i32
      %dma_start3A_172 = tpu.memref_slice %arg3[%add3A_169, %mul3A_34, %dma_start3A_171] : memref<2048x2048x64xf32, #tpu.memory_space<hbm>> -> memref<1x512x64xf32, #tpu.memory_space<hbm>>
      %dma_start3A_173 = tpu.memref_squeeze %dma_start3A_172 : memref<1x512x64xf32, #tpu.memory_space<hbm>> -> memref<512x64xf32, #tpu.memory_space<hbm>>
      %dma_start3A_174 = arith.constant 0 : i32
      %dma_start3A_175 = tpu.memref_slice %arg3[%add3A_169, %mul3A_34, %dma_start3A_174] : memref<2048x2048x64xf32, #tpu.memory_space<hbm>> -> memref<1x512x64xf32, #tpu.memory_space<hbm>>
      %dma_start3A_176 = tpu.memref_squeeze %dma_start3A_175 : memref<1x512x64xf32, #tpu.memory_space<hbm>> -> memref<512x64xf32, #tpu.memory_space<hbm>>
      %dma_start3A_177 = arith.constant 0 : i32
      %dma_start3A_178 = tpu.memref_slice %arg5[%sub3A_168, %dma_start3A_177] : memref<768x64xf32, #tpu.memory_space<vmem>> -> memref<512x64xf32, #tpu.memory_space<vmem>>
      tpu.enqueue_dma source(%dma_start3A_178 : memref<512x64xf32, #tpu.memory_space<vmem>>) target(%dma_start3A_176 : memref<512x64xf32, #tpu.memory_space<hbm>>) target_semaphore(%arg6 : memref<!tpu.dma_semaphore, #tpu.memory_space<semaphore_mem>>)
    }
    %scan3A_52 = arith.constant 256 : i32
    %add3A_53 = arith.constant 248 : i32
    %add3A_54 = arith.addi %mul3A_32, %add3A_53 : i32
    %dma_wait3A = arith.constant 7 : i32
    %dma_wait3A_55 = arith.constant 0 : i32
    %dma_wait3A_56 = tpu.memref_slice %arg5[%dma_wait3A, %dma_wait3A_55] : memref<768x64xf32, #tpu.memory_space<vmem>> -> memref<512x64xf32, #tpu.memory_space<vmem>>
    %dma_wait3A_57 = arith.constant 0 : i32
    %dma_wait3A_58 = tpu.memref_slice %arg3[%add3A_54, %mul3A_34, %dma_wait3A_57] : memref<2048x2048x64xf32, #tpu.memory_space<hbm>> -> memref<1x512x64xf32, #tpu.memory_space<hbm>>
    %dma_wait3A_59 = tpu.memref_squeeze %dma_wait3A_58 : memref<1x512x64xf32, #tpu.memory_space<hbm>> -> memref<512x64xf32, #tpu.memory_space<hbm>>
    %dma_wait3A_60 = arith.constant 0 : i32
    %dma_wait3A_61 = tpu.memref_slice %arg3[%add3A_54, %mul3A_34, %dma_wait3A_60] : memref<2048x2048x64xf32, #tpu.memory_space<hbm>> -> memref<1x512x64xf32, #tpu.memory_space<hbm>>
    %dma_wait3A_62 = tpu.memref_squeeze %dma_wait3A_61 : memref<1x512x64xf32, #tpu.memory_space<hbm>> -> memref<512x64xf32, #tpu.memory_space<hbm>>
    %dma_wait3A_63 = arith.constant 7 : i32
    %dma_wait3A_64 = arith.constant 0 : i32
    %dma_wait3A_65 = tpu.memref_slice %arg5[%dma_wait3A_63, %dma_wait3A_64] : memref<768x64xf32, #tpu.memory_space<vmem>> -> memref<512x64xf32, #tpu.memory_space<vmem>>
    tpu.wait_dma2 semaphore(%arg6 : memref<!tpu.dma_semaphore, #tpu.memory_space<semaphore_mem>>) src(%dma_wait3A_65 : memref<512x64xf32, #tpu.memory_space<vmem>>) dst(%dma_wait3A_62 : memref<512x64xf32, #tpu.memory_space<hbm>>)
    %add3A_66 = arith.constant 249 : i32
    %add3A_67 = arith.addi %mul3A_32, %add3A_66 : i32
    %dma_wait3A_68 = arith.constant 6 : i32
    %dma_wait3A_69 = arith.constant 0 : i32
    %dma_wait3A_70 = tpu.memref_slice %arg5[%dma_wait3A_68, %dma_wait3A_69] : memref<768x64xf32, #tpu.memory_space<vmem>> -> memref<512x64xf32, #tpu.memory_space<vmem>>
    %dma_wait3A_71 = arith.constant 0 : i32
    %dma_wait3A_72 = tpu.memref_slice %arg3[%add3A_67, %mul3A_34, %dma_wait3A_71] : memref<2048x2048x64xf32, #tpu.memory_space<hbm>> -> memref<1x512x64xf32, #tpu.memory_space<hbm>>
    %dma_wait3A_73 = tpu.memref_squeeze %dma_wait3A_72 : memref<1x512x64xf32, #tpu.memory_space<hbm>> -> memref<512x64xf32, #tpu.memory_space<hbm>>
    %dma_wait3A_74 = arith.constant 0 : i32
    %dma_wait3A_75 = tpu.memref_slice %arg3[%add3A_67, %mul3A_34, %dma_wait3A_74] : memref<2048x2048x64xf32, #tpu.memory_space<hbm>> -> memref<1x512x64xf32, #tpu.memory_space<hbm>>
    %dma_wait3A_76 = tpu.memref_squeeze %dma_wait3A_75 : memref<1x512x64xf32, #tpu.memory_space<hbm>> -> memref<512x64xf32, #tpu.memory_space<hbm>>
    %dma_wait3A_77 = arith.constant 6 : i32
    %dma_wait3A_78 = arith.constant 0 : i32
    %dma_wait3A_79 = tpu.memref_slice %arg5[%dma_wait3A_77, %dma_wait3A_78] : memref<768x64xf32, #tpu.memory_space<vmem>> -> memref<512x64xf32, #tpu.memory_space<vmem>>
    tpu.wait_dma2 semaphore(%arg6 : memref<!tpu.dma_semaphore, #tpu.memory_space<semaphore_mem>>) src(%dma_wait3A_79 : memref<512x64xf32, #tpu.memory_space<vmem>>) dst(%dma_wait3A_76 : memref<512x64xf32, #tpu.memory_space<hbm>>)
    %add3A_80 = arith.constant 250 : i32
    %add3A_81 = arith.addi %mul3A_32, %add3A_80 : i32
    %dma_wait3A_82 = arith.constant 5 : i32
    %dma_wait3A_83 = arith.constant 0 : i32
    %dma_wait3A_84 = tpu.memref_slice %arg5[%dma_wait3A_82, %dma_wait3A_83] : memref<768x64xf32, #tpu.memory_space<vmem>> -> memref<512x64xf32, #tpu.memory_space<vmem>>
    %dma_wait3A_85 = arith.constant 0 : i32
    %dma_wait3A_86 = tpu.memref_slice %arg3[%add3A_81, %mul3A_34, %dma_wait3A_85] : memref<2048x2048x64xf32, #tpu.memory_space<hbm>> -> memref<1x512x64xf32, #tpu.memory_space<hbm>>
    %dma_wait3A_87 = tpu.memref_squeeze %dma_wait3A_86 : memref<1x512x64xf32, #tpu.memory_space<hbm>> -> memref<512x64xf32, #tpu.memory_space<hbm>>
    %dma_wait3A_88 = arith.constant 0 : i32
    %dma_wait3A_89 = tpu.memref_slice %arg3[%add3A_81, %mul3A_34, %dma_wait3A_88] : memref<2048x2048x64xf32, #tpu.memory_space<hbm>> -> memref<1x512x64xf32, #tpu.memory_space<hbm>>
    %dma_wait3A_90 = tpu.memref_squeeze %dma_wait3A_89 : memref<1x512x64xf32, #tpu.memory_space<hbm>> -> memref<512x64xf32, #tpu.memory_space<hbm>>
    %dma_wait3A_91 = arith.constant 5 : i32
    %dma_wait3A_92 = arith.constant 0 : i32
    %dma_wait3A_93 = tpu.memref_slice %arg5[%dma_wait3A_91, %dma_wait3A_92] : memref<768x64xf32, #tpu.memory_space<vmem>> -> memref<512x64xf32, #tpu.memory_space<vmem>>
    tpu.wait_dma2 semaphore(%arg6 : memref<!tpu.dma_semaphore, #tpu.memory_space<semaphore_mem>>) src(%dma_wait3A_93 : memref<512x64xf32, #tpu.memory_space<vmem>>) dst(%dma_wait3A_90 : memref<512x64xf32, #tpu.memory_space<hbm>>)
    %add3A_94 = arith.constant 251 : i32
    %add3A_95 = arith.addi %mul3A_32, %add3A_94 : i32
    %dma_wait3A_96 = arith.constant 4 : i32
    %dma_wait3A_97 = arith.constant 0 : i32
    %dma_wait3A_98 = tpu.memref_slice %arg5[%dma_wait3A_96, %dma_wait3A_97] : memref<768x64xf32, #tpu.memory_space<vmem>> -> memref<512x64xf32, #tpu.memory_space<vmem>>
    %dma_wait3A_99 = arith.constant 0 : i32
    %dma_wait3A_100 = tpu.memref_slice %arg3[%add3A_95, %mul3A_34, %dma_wait3A_99] : memref<2048x2048x64xf32, #tpu.memory_space<hbm>> -> memref<1x512x64xf32, #tpu.memory_space<hbm>>
    %dma_wait3A_101 = tpu.memref_squeeze %dma_wait3A_100 : memref<1x512x64xf32, #tpu.memory_space<hbm>> -> memref<512x64xf32, #tpu.memory_space<hbm>>
    %dma_wait3A_102 = arith.constant 0 : i32
    %dma_wait3A_103 = tpu.memref_slice %arg3[%add3A_95, %mul3A_34, %dma_wait3A_102] : memref<2048x2048x64xf32, #tpu.memory_space<hbm>> -> memref<1x512x64xf32, #tpu.memory_space<hbm>>
    %dma_wait3A_104 = tpu.memref_squeeze %dma_wait3A_103 : memref<1x512x64xf32, #tpu.memory_space<hbm>> -> memref<512x64xf32, #tpu.memory_space<hbm>>
    %dma_wait3A_105 = arith.constant 4 : i32
    %dma_wait3A_106 = arith.constant 0 : i32
    %dma_wait3A_107 = tpu.memref_slice %arg5[%dma_wait3A_105, %dma_wait3A_106] : memref<768x64xf32, #tpu.memory_space<vmem>> -> memref<512x64xf32, #tpu.memory_space<vmem>>
    tpu.wait_dma2 semaphore(%arg6 : memref<!tpu.dma_semaphore, #tpu.memory_space<semaphore_mem>>) src(%dma_wait3A_107 : memref<512x64xf32, #tpu.memory_space<vmem>>) dst(%dma_wait3A_104 : memref<512x64xf32, #tpu.memory_space<hbm>>)
    %add3A_108 = arith.constant 252 : i32
    %add3A_109 = arith.addi %mul3A_32, %add3A_108 : i32
    %dma_wait3A_110 = arith.constant 3 : i32
    %dma_wait3A_111 = arith.constant 0 : i32
    %dma_wait3A_112 = tpu.memref_slice %arg5[%dma_wait3A_110, %dma_wait3A_111] : memref<768x64xf32, #tpu.memory_space<vmem>> -> memref<512x64xf32, #tpu.memory_space<vmem>>
    %dma_wait3A_113 = arith.constant 0 : i32
    %dma_wait3A_114 = tpu.memref_slice %arg3[%add3A_109, %mul3A_34, %dma_wait3A_113] : memref<2048x2048x64xf32, #tpu.memory_space<hbm>> -> memref<1x512x64xf32, #tpu.memory_space<hbm>>
    %dma_wait3A_115 = tpu.memref_squeeze %dma_wait3A_114 : memref<1x512x64xf32, #tpu.memory_space<hbm>> -> memref<512x64xf32, #tpu.memory_space<hbm>>
    %dma_wait3A_116 = arith.constant 0 : i32
    %dma_wait3A_117 = tpu.memref_slice %arg3[%add3A_109, %mul3A_34, %dma_wait3A_116] : memref<2048x2048x64xf32, #tpu.memory_space<hbm>> -> memref<1x512x64xf32, #tpu.memory_space<hbm>>
    %dma_wait3A_118 = tpu.memref_squeeze %dma_wait3A_117 : memref<1x512x64xf32, #tpu.memory_space<hbm>> -> memref<512x64xf32, #tpu.memory_space<hbm>>
    %dma_wait3A_119 = arith.constant 3 : i32
    %dma_wait3A_120 = arith.constant 0 : i32
    %dma_wait3A_121 = tpu.memref_slice %arg5[%dma_wait3A_119, %dma_wait3A_120] : memref<768x64xf32, #tpu.memory_space<vmem>> -> memref<512x64xf32, #tpu.memory_space<vmem>>
    tpu.wait_dma2 semaphore(%arg6 : memref<!tpu.dma_semaphore, #tpu.memory_space<semaphore_mem>>) src(%dma_wait3A_121 : memref<512x64xf32, #tpu.memory_space<vmem>>) dst(%dma_wait3A_118 : memref<512x64xf32, #tpu.memory_space<hbm>>)
    %add3A_122 = arith.constant 253 : i32
    %add3A_123 = arith.addi %mul3A_32, %add3A_122 : i32
    %dma_wait3A_124 = arith.constant 2 : i32
    %dma_wait3A_125 = arith.constant 0 : i32
    %dma_wait3A_126 = tpu.memref_slice %arg5[%dma_wait3A_124, %dma_wait3A_125] : memref<768x64xf32, #tpu.memory_space<vmem>> -> memref<512x64xf32, #tpu.memory_space<vmem>>
    %dma_wait3A_127 = arith.constant 0 : i32
    %dma_wait3A_128 = tpu.memref_slice %arg3[%add3A_123, %mul3A_34, %dma_wait3A_127] : memref<2048x2048x64xf32, #tpu.memory_space<hbm>> -> memref<1x512x64xf32, #tpu.memory_space<hbm>>
    %dma_wait3A_129 = tpu.memref_squeeze %dma_wait3A_128 : memref<1x512x64xf32, #tpu.memory_space<hbm>> -> memref<512x64xf32, #tpu.memory_space<hbm>>
    %dma_wait3A_130 = arith.constant 0 : i32
    %dma_wait3A_131 = tpu.memref_slice %arg3[%add3A_123, %mul3A_34, %dma_wait3A_130] : memref<2048x2048x64xf32, #tpu.memory_space<hbm>> -> memref<1x512x64xf32, #tpu.memory_space<hbm>>
    %dma_wait3A_132 = tpu.memref_squeeze %dma_wait3A_131 : memref<1x512x64xf32, #tpu.memory_space<hbm>> -> memref<512x64xf32, #tpu.memory_space<hbm>>
    %dma_wait3A_133 = arith.constant 2 : i32
    %dma_wait3A_134 = arith.constant 0 : i32
    %dma_wait3A_135 = tpu.memref_slice %arg5[%dma_wait3A_133, %dma_wait3A_134] : memref<768x64xf32, #tpu.memory_space<vmem>> -> memref<512x64xf32, #tpu.memory_space<vmem>>
    tpu.wait_dma2 semaphore(%arg6 : memref<!tpu.dma_semaphore, #tpu.memory_space<semaphore_mem>>) src(%dma_wait3A_135 : memref<512x64xf32, #tpu.memory_space<vmem>>) dst(%dma_wait3A_132 : memref<512x64xf32, #tpu.memory_space<hbm>>)
    %add3A_136 = arith.constant 254 : i32
    %add3A_137 = arith.addi %mul3A_32, %add3A_136 : i32
    %dma_wait3A_138 = arith.constant 1 : i32
    %dma_wait3A_139 = arith.constant 0 : i32
    %dma_wait3A_140 = tpu.memref_slice %arg5[%dma_wait3A_138, %dma_wait3A_139] : memref<768x64xf32, #tpu.memory_space<vmem>> -> memref<512x64xf32, #tpu.memory_space<vmem>>
    %dma_wait3A_141 = arith.constant 0 : i32
    %dma_wait3A_142 = tpu.memref_slice %arg3[%add3A_137, %mul3A_34, %dma_wait3A_141] : memref<2048x2048x64xf32, #tpu.memory_space<hbm>> -> memref<1x512x64xf32, #tpu.memory_space<hbm>>
    %dma_wait3A_143 = tpu.memref_squeeze %dma_wait3A_142 : memref<1x512x64xf32, #tpu.memory_space<hbm>> -> memref<512x64xf32, #tpu.memory_space<hbm>>
    %dma_wait3A_144 = arith.constant 0 : i32
    %dma_wait3A_145 = tpu.memref_slice %arg3[%add3A_137, %mul3A_34, %dma_wait3A_144] : memref<2048x2048x64xf32, #tpu.memory_space<hbm>> -> memref<1x512x64xf32, #tpu.memory_space<hbm>>
    %dma_wait3A_146 = tpu.memref_squeeze %dma_wait3A_145 : memref<1x512x64xf32, #tpu.memory_space<hbm>> -> memref<512x64xf32, #tpu.memory_space<hbm>>
    %dma_wait3A_147 = arith.constant 1 : i32
    %dma_wait3A_148 = arith.constant 0 : i32
    %dma_wait3A_149 = tpu.memref_slice %arg5[%dma_wait3A_147, %dma_wait3A_148] : memref<768x64xf32, #tpu.memory_space<vmem>> -> memref<512x64xf32, #tpu.memory_space<vmem>>
    tpu.wait_dma2 semaphore(%arg6 : memref<!tpu.dma_semaphore, #tpu.memory_space<semaphore_mem>>) src(%dma_wait3A_149 : memref<512x64xf32, #tpu.memory_space<vmem>>) dst(%dma_wait3A_146 : memref<512x64xf32, #tpu.memory_space<hbm>>)
    %add3A_150 = arith.constant 255 : i32
    %add3A_151 = arith.addi %mul3A_32, %add3A_150 : i32
    %dma_wait3A_152 = arith.constant 0 : i32
    %dma_wait3A_153 = arith.constant 0 : i32
    %dma_wait3A_154 = tpu.memref_slice %arg5[%dma_wait3A_152, %dma_wait3A_153] : memref<768x64xf32, #tpu.memory_space<vmem>> -> memref<512x64xf32, #tpu.memory_space<vmem>>
    %dma_wait3A_155 = arith.constant 0 : i32
    %dma_wait3A_156 = tpu.memref_slice %arg3[%add3A_151, %mul3A_34, %dma_wait3A_155] : memref<2048x2048x64xf32, #tpu.memory_space<hbm>> -> memref<1x512x64xf32, #tpu.memory_space<hbm>>
    %dma_wait3A_157 = tpu.memref_squeeze %dma_wait3A_156 : memref<1x512x64xf32, #tpu.memory_space<hbm>> -> memref<512x64xf32, #tpu.memory_space<hbm>>
    %dma_wait3A_158 = arith.constant 0 : i32
    %dma_wait3A_159 = tpu.memref_slice %arg3[%add3A_151, %mul3A_34, %dma_wait3A_158] : memref<2048x2048x64xf32, #tpu.memory_space<hbm>> -> memref<1x512x64xf32, #tpu.memory_space<hbm>>
    %dma_wait3A_160 = tpu.memref_squeeze %dma_wait3A_159 : memref<1x512x64xf32, #tpu.memory_space<hbm>> -> memref<512x64xf32, #tpu.memory_space<hbm>>
    %dma_wait3A_161 = arith.constant 0 : i32
    %dma_wait3A_162 = arith.constant 0 : i32
    %dma_wait3A_163 = tpu.memref_slice %arg5[%dma_wait3A_161, %dma_wait3A_162] : memref<768x64xf32, #tpu.memory_space<vmem>> -> memref<512x64xf32, #tpu.memory_space<vmem>>
    tpu.wait_dma2 semaphore(%arg6 : memref<!tpu.dma_semaphore, #tpu.memory_space<semaphore_mem>>) src(%dma_wait3A_163 : memref<512x64xf32, #tpu.memory_space<vmem>>) dst(%dma_wait3A_160 : memref<512x64xf32, #tpu.memory_space<hbm>>)
    return
  }
}

</mosaic_0001>

<sc_bundles>
// kernel: kernel.3.cloned.1.call-start
scs
__scs_entry_jumppad:
0x0: {  	(pc) =	sbr.rel $0x88, $3  }
0x1: {  	(tag) =	ssettag $0x0;
	lr =	simm.s32 $0x1  }
0x2: {  	[smem:$0x3FA0] =	sst lr;
	_ =	strace $0xD0000000  }
0x3: {  	_ = 	snop  }
0x4: {  	_ = 	snop  }
0x5: {  	_ = 	snop  }
0x6: {  	_ = 	snop  }
0x7: {  	_ = 	snop  }
__scs_overlays_trampoline_lowered:
0x8: {  	[smem:$0x3FAF] =	sst s0  }
0x9: {  	[smem:$0x3FB0] =	sst s1  }
0xa: {  	[smem:$0x3FB1] =	sst s2  }
0xb: {  	[smem:$0x3FB2] =	sst s3  }
0xc: {  	[smem:$0x3FB3] =	sst s4  }
0xd: {  	[smem:$0x3FB4] =	sst s5  }
0xe: {  	[smem:$0x3FB5] =	sst s6  }
0xf: {  	[smem:$0x3FB6] =	sst s7  }
0x10: {  	[smem:$0x3FB7] =	sst s8  }
0x11: {  	[smem:$0x3FB8] =	sst s9;
	s0 =	simm.s32 @!p0 $0x0  }
0x12: {  	s1 =	sld [smem:$0x3F9E];
	s0 =	simm.s32 @p0 $0x1  }
0x13: {  	[smem:$0x3FB9] =	sst s0;
	s0 =	simm.s32 @!p1 $0x0  }
0x14: {  	s2 =	sld [smem:$0x3F9D];
	s0 =	simm.s32 @p1 $0x1  }
0x15: {  	[smem:$0x3FBA] =	sst s0;
	s0 =	simm.s32 @!p2 $0x0  }
0x16: {  	s3 =	sld [smem:$0x3FDB];
	s0 =	simm.s32 @p2 $0x1  }
0x17: {  	s4 =	simm.s32 $0x1BF5;
	[smem:$0x3FBC] =	sst s0  }
0x18: {  	s0 =	sld [smem:$0x3F9F];
	_ =	swait.ge [sflag:s4], $0x0  }
0x19: {  	s7 =	sld [smem:$0x3FA0]  }
0x1a: {  	s8 =	sadd.s32 $0xFFFFE003, lr  }
0x1b: {  	s9 =	sadd.s32 $0xFFFFFEF7, lr;
	s5 =	simm.s32 $0xFFFFFFFF;
	p2 =	slt.u32 s8, $0xFFFFF086  }
0x1c: {  	p1 =	slt.u32 s9, $0xF7A;
	s5 =	simm.s32 @!p2 $0x0  }
0x1d: {  	s5 =	simm.s32 @p1 $0x1;
	p0 =	seq.s32 s7, s2  }
0x1e: {  	s7 =	smul.u32 @!p0 $0xF7A, s2;
	p2 =	seq.s32 @!p0 s5, $0x0  }
0x1f: {  	s9 =	smul.u32 $0xF7A, s1;
	s8 =	simm.s32 @!p0 $0x1BF5;
	p2 =	por !p2, p0  }
0x20: {  	[sflag:s8] =	ssyncset.s32 @!p0 $0xFFFFF086;
	s6 =	sadd.s32 @!p0 s3, s7;
	s7 =	simm.s32 @!p0 $0x108  }
0x21: {  	s3 =	sadd.s32 s3, s9;
	s6 =	sadd.s32 @!p0 $0x88, s6;
	s7 =	simm.s32 @p2 $0x1082  }
0x22: {  	[simem:s7], [sflag:s8] =	dma.local @!p0 [hbm:s6], $0xF7A  }
0x23: {  	s9 =	sor.u32 $0xD0000000, s2;
	s6 =	simm.s32 $0x108;
	_ =	swait.ge @!p0 [sflag:s8], $0x0  }
0x24: {  	s3 =	sadd.s32 $0x88, s3;
	s6 =	simm.s32 @!p1 $0x1082;
	[sflag:s4] =	ssyncset.s32 $0xFFFFF086  }
0x25: {  	[simem:s6], [sflag:s4] =	dma.local [hbm:s3], $0xF7A  }
0x26: {  	[smem:$0x3FA0] =	sst s1;
	(tag) =	ssettag s2;
	_ =	strace s9  }
0x27: {  	s1 =	sld [smem:$0x3FB0]  }
0x28: {  	s2 =	sld [smem:$0x3FB1]  }
0x29: {  	s4 =	sld [smem:$0x3FB3]  }
0x2a: {  	p0 =	seq.s32 s5, $0x0;
	s5 =	sld [smem:$0x3FB4]  }
0x2b: {  	s6 =	sld [smem:$0x3FB5]  }
0x2c: {  	s7 =	sld [smem:$0x3FB6]  }
0x2d: {  	s3 =	simm.s32 $0x108;
	s8 =	sld [smem:$0x3FB7]  }
0x2e: {  	s3 =	simm.s32 @!p0 $0x1082;
	s9 =	sld [smem:$0x3FB8]  }
0x2f: {  	lr =	sadd.s32 s0, s3;
	s0 =	sld [smem:$0x3FAF]  }
0x30: {  	s3 =	sld [smem:$0x3FB2]  }
0x31: {  	[smem:$0x3FBB] =	sst s10  }
0x32: {  	s10 =	sld [smem:$0x3FB9];
	_ =	sdelay $0x3  }
0x33: {  	p0 =	seq.s32 s10, $0x1;
	s10 =	sld [smem:$0x3FBB];
	_ =	sdelay $0x3  }
0x34: {  	[smem:$0x3FBB] =	sst s10  }
0x35: {  	s10 =	sld [smem:$0x3FBA];
	_ =	sdelay $0x3  }
0x36: {  	p1 =	seq.s32 s10, $0x1;
	s10 =	sld [smem:$0x3FBB];
	_ =	sdelay $0x3  }
0x37: {  	[smem:$0x3FBB] =	sst s10  }
0x38: {  	s10 =	sld [smem:$0x3FBC]  }
0x39: {  	_ = 	snop;
	(pc) =	sbr.ind lr, $3  }
0x3a: {  	_ = 	snop  }
0x3b: {  	_ = 	snop  }
0x3c: {  	p2 =	seq.s32 s10, $0x1;
	s10 =	sld [smem:$0x3FBB]  }
0x3d: {  	_ =	shalt  }
0x3e: {  	_ =	shalt  }
0x3f: {  	_ =	shalt  }
0x40: {  	_ =	shalt  }
0x41: {  	_ =	shalt  }
0x42: {  	_ =	shalt  }
0x43: {  	_ =	shalt  }
0x44: {  	_ =	shalt  }
0x45: {  	_ =	shalt  }
0x46: {  	_ =	shalt  }
0x47: {  	_ =	shalt  }
0x48: {  	_ =	shalt  }
0x49: {  	_ =	shalt  }
0x4a: {  	_ =	shalt  }
0x4b: {  	_ =	shalt  }
0x4c: {  	_ =	shalt  }
0x4d: {  	_ =	shalt  }
0x4e: {  	_ =	shalt  }
0x4f: {  	_ =	shalt  }
0x50: {  	_ =	shalt  }
0x51: {  	_ =	shalt  }
0x52: {  	_ =	shalt  }
0x53: {  	_ =	shalt  }
0x54: {  	_ =	shalt  }
0x55: {  	_ =	shalt  }
0x56: {  	_ =	shalt  }
0x57: {  	_ =	shalt  }
0x58: {  	_ =	shalt  }
0x59: {  	_ =	shalt  }
0x5a: {  	_ =	shalt  }
0x5b: {  	_ =	shalt  }
0x5c: {  	_ =	shalt  }
0x5d: {  	_ =	shalt  }
0x5e: {  	_ =	shalt  }
0x5f: {  	_ =	shalt  }
0x60: {  	_ =	shalt  }
0x61: {  	_ =	shalt  }
0x62: {  	_ =	shalt  }
0x63: {  	_ =	shalt  }
0x64: {  	_ =	shalt  }
0x65: {  	_ =	shalt  }
0x66: {  	_ =	shalt  }
0x67: {  	_ =	shalt  }
0x68: {  	_ =	shalt  }
0x69: {  	_ =	shalt  }
0x6a: {  	_ =	shalt  }
0x6b: {  	_ =	shalt  }
0x6c: {  	_ =	shalt  }
0x6d: {  	_ =	shalt  }
0x6e: {  	_ =	shalt  }
0x6f: {  	_ =	shalt  }
0x70: {  	_ =	shalt  }
0x71: {  	_ =	shalt  }
0x72: {  	_ =	shalt  }
0x73: {  	_ =	shalt  }
0x74: {  	_ =	shalt  }
0x75: {  	_ =	shalt  }
0x76: {  	_ =	shalt  }
0x77: {  	_ =	shalt  }
0x78: {  	_ =	shalt  }
0x79: {  	_ =	shalt  }
0x7a: {  	_ =	shalt  }
0x7b: {  	_ =	shalt  }
0x7c: {  	_ =	shalt  }
0x7d: {  	_ =	shalt  }
0x7e: {  	_ =	shalt  }
0x7f: {  	_ =	shalt  }
0x80: {  	_ =	shalt  }
0x81: {  	_ =	shalt  }
0x82: {  	_ =	shalt  }
0x83: {  	_ =	shalt  }
0x84: {  	_ =	shalt  }
0x85: {  	_ =	shalt  }
0x86: {  	_ =	shalt  }
0x87: {  	_ =	shalt  }
.Lfunc_end0:
.L_simem_size_0:
called_computation_lowered:
.L_overlay_start_0:
0x88: {  	s2 =	sld [smem:$0x3FD9]  }
0x89: {  	s3 =	sld [smem:$0x3FFE];
	_ =	sdelay $0x1  }
0x8a: {  	s1 =	srdreg.scid  }
0x8b: {  	s0 =	sand.u32 $0x1, s1  }
0x8c: {  	s17 =	sshll.u32 s0, $0xA;
	s2 =	sadd.s32 s3, s2  }
0x8d: {  	s2 =	sadd.s32 s2, s17  }
0x8e: {  	[smem:$0x3FC7] =	sst s2  }
0x8f: {  	_ = 	snop  }
0x90: {  	s2 =	sld [smem:$0x3FD0];
	(tm) =	ssettm $0x1  }
0x91: {  	s18 =	sld [smem:$0x3FFB];
	_ =	sdelay $0x3  }
0x92: {  	_ =	strace s18  }
0x93: {  	s3 =	sld [smem:$0x3FFC];
	_ =	sdelay $0x3  }
0x94: {  	_ =	strace s3  }
0x95: {  	s3 =	sld [smem:$0x3FFD];
	_ =	sdelay $0x3  }
0x96: {  	_ =	strace s3  }
0x97: {  	_ =	strace $0x8FFFFFFF  }
0x98: {  	s19 =	sld [smem:$0x3FDB];
	_ =	sdelay $0x1  }
0x99: {  	s4 =	simm.s32 $_scs_section_size  }
0x9a: {  	s5 =	simm.s32 $_size__tile_overlayer_lowered;
	s6 =	simm.s32 $_tile_overlayer_lowered  }
0x9b: {  	s22 =	simm.s32 $0x1BFF;
	s21 =	sshll.u32 s6, $0x1;
	s3 =	sadd.s32 s4, s19  }
0x9c: {  	s7 =	simm.s32 $0x0;
	s20 =	sshll.u32 s5, $0x1;
	s5 =	sadd.s32 s21, s3  }
0x9d: {  	[timem:s7], [sflag:s22] =	dma.local [hbm:s5], s20  }
0x9e: {  	_ =	swait.ge [sflag:s22], s20  }
0x9f: {  	s4 =	ssub.s32 $0x0, s20;
	[sflag:s22] =	ssyncset.done $0x0  }
0xa0: {  	[sflag:s22] =	ssyncadd.s32 s4;
	_ =	sdelay $0x1  }
0xa1: {  	s23 =	simm.s32 $0x1B8B  }
0xa2: {  	_ =	swait.ge [sflag:s23], $0x1  }
0xa3: {  	[sflag:s23] =	ssyncset.done $0x0  }
0xa4: {  	s25 =	simm.s32 $0x1B8E;
	s24 =	sld [smem:$0x3FFE];
	[sflag:s23] =	ssyncadd.s32 $0xFFFFFFFF  }
0xa5: {  	s26 =	simm.s32 $execute0_lowered;
	[smem:$0x3FD2] =	sst s25  }
0xa6: {  	s5 =	sshll.u32 s26, $0x1;
	_ =	strace $0x80000046;
	[dreg:$0x1] =	wrdreg $0xFFFFFFFF  }
0xa7: {  	s28 =	simm.s32 $_size_execute0_lowered;
	s3 =	sadd.s32 s3, s5;
	[dreg:$0x0] =	wrdreg $0x0  }
0xa8: {  	s5 =	sshll.u32 s28, $0x1;
	[dreg:$0x2] =	wrdreg s3  }
0xa9: {  	[dreg:$0x3] =	wrdreg s5  }
0xaa: {  	[dreg:$0x4] =	wrdreg $0xC0  }
0xab: {  	_ =	task [dreg:s7], $0x5FFFF  }
0xac: {  	[dreg:$0x1] =	wrdreg $0xFFFFFFFF  }
0xad: {  	[dreg:$0x0] =	wrdreg $0x60  }
0xae: {  	[dreg:$0x2] =	wrdreg s2  }
0xaf: {  	[dreg:$0x3] =	wrdreg s24  }
0xb0: {  	[dreg:$0x4] =	wrdreg $0x9  }
0xb1: {  	_ =	task.clear_ibuf [dreg:s7], $0x5FFFF;
	_ =	strace $0x90000046  }
0xb2: {  	s29 =	simm.s32 $0x9;
	_ =	strace $0x80000048  }
0xb3: {  	_ =	swait.ge [sflag:s29], $0x1  }
0xb4: {  	[sflag:s29] =	ssyncadd.s32 $0xFFFFFFFF  }
0xb5: {  	_ =	strace $0x90000048  }
0xb6: {  	_ =	sfence  }
0xb7: {  	s30 =	sld [smem:$0x0];
	_ =	sdelay $0x2  }
0xb8: {  	s31 =	sshll.u32 s1, $0xD;
	s1 =	sshrl.u32 s1, $0x2  }
0xb9: {  	s3 =	sand.u32 $0x4000, s31;
	s1 =	sadd.s32 s1, s30  }
0xba: {  	s0 =	sor.u32 s3, s0;
	s1 =	sshll.u32 s1, $0x11  }
0xbb: {  	s0 =	sor.u32 s1, s0  }
0xbc: {  	s0 =	sadd.s32 $0x8F2B, s0  }
0xbd: {  	[sflag:s0] =	ssyncadd.remote.s32 $0x1  }
0xbe: {  	_ =	sfence.sel $0xFFFF  }
0xbf: {  	[dreg:$0x0] =	wrdreg $0xFFFFFFFF;
	(pc) =	sbr.abs _section_cstart, $3  }
0xc0: {  	[dreg:$0x1] =	wrdreg $0xFFFFFFFF  }
0xc1: {  	_ =	task.clear_ibuf [dreg:s7], $0x2FFFF;
	_ =	strace $0x9FFFFFFF  }
0xc2: {  	(tm) =	ssettm $0x7FFFFFFF  }
0xc3: {  	_ =	shalt  }
tec
execute0_lowered:
.L_overlay_start_1:
0x0: {  	(tag) =	ssettag $0x1  }
0x1: {  	s0 =	srdreg.scid  }
0x2: {  	s4 =	sand.u32 $0x1, s0  }
0x3: {  	s0 =	stileid.u32;
	s1 =	sshll.u32 s4, $0x4  }
0x4: {  	s5 =	sand.u32 $0x3, s0;
	s1 =	sor.u32 s0, s1  }
0x5: {  	s2 =	rddreg [dreg:$0x0];
	p1 =	sne.s32 s5, $0x0;
	p0 =	seq.s32 s1, $0x0  }
0x6: {  	s7 =	rddreg [dreg:$0x1];
	s3 =	simm.s32 $0x0;
	p0 =	por !p1, !p0  }
0x7: {  	s6 =	simm.s32 $0x1;
	[smem:$0x7FF] =	sst s3;
	p0 =	por !p0, !p0  }
0x8: {  	s30 =	ssub.s32 $0x2, s4;
	s8 =	sshrl.u32 s1, $0x2;
	s6 =	simm.s32 @!p0 $0x0  }
0x9: {  	s4 =	simm.s32 $0x1;
	s29 =	sshll.u32 s5, $0x10;
	s6 =	ssub.s32 s8, s6  }
0xa: {  	s10 =	sshrl.u32 s30, $0x1;
	s31 =	sshll.u32 s5, $0x9;
	s9 =	sshll.u32 s6, $0x1A  }
0xb: {  	s1 =	rddreg [dreg:$0x2];
	_ =	strace $0x80000047;
	s8 =	sor.u32 s29, s9  }
0xc: {  	s6 =	sshll.u32 s6, $0x8;
	s9 =	ssub.s32 s30, s10;
	s8 =	sshrl.u32 s8, $0x3  }
0xd: {  	s6 =	ssub.s32 s31, s6;
	s5 =	smax.u32 s9, $0x1;
	s7 =	sadd.s32 s8, s7  }
0xe: {  	s9 =	simm.s32 $0x0;
	s8 =	simm.s32 $0x2;
	s7 =	sadd.s32 $0x400, s7  }
.LBB2_1:
0xf: {  	[tilespmem:s3], [sflag:$0x2] =	stream.linear.gather [hbm4b:s2+s3], $0x4080, $0x38;
	[tilespmem:$0x1C400] =	vst v63  }
0x10: {  	s10 =	sadd.s32 $0xFFFFFF01, s6  }
0x11: {  	p0 =	sgt.s32 s10, $0xFFFFFFC0  }
0x12: {  	s10 =	simm.s32 @!p0 $0xFFFFFFC0  }
0x13: {  	p0 =	slt.s32 s10, $0x40  }
0x14: {  	_ =	swait.ge [sflag:s8], $0x4080;
	s10 =	simm.s32 @!p0 $0x40  }
0x15: {  	[sflag:s8] =	ssyncset.done $0x0;
	s10 =	sshll.u32 s10, $0x9  }
0x16: {  	[sflag:s8] =	ssyncadd.s32 $0xFFFFBF80;
	s11 =	sshra.s32 s10, $0x2  }
0x17: {  	v0 =	vld [tilespmem:s11+$0x2000];
	_ =	sdelay $0x3  }
0x18: {  	s10 =	simm.s32 $0x4420  }
0x19: {  	[tilespmem:s10+$0xFFFFFFE0] =	vst v0  }
0x1a: {  	v0 =	vld [tilespmem:s11+$0x2010];
	_ =	sdelay $0x4  }
0x1b: {  	[tilespmem:s10+$0xFFFFFFF0] =	vst v0  }
0x1c: {  	v0 =	vld [tilespmem:s11+$0x2020];
	_ =	sdelay $0x4  }
0x1d: {  	s13 =	sadd.s32 $0xFFFFFF02, s6;
	s12 =	simm.s32 $0xFFFFFF03;
	[tilespmem:s10+$0x0] =	vst v0  }
.LBB2_2:
0x1e: {  	p0 =	sne.s32 s12, $0x1FF;
	p1 =	sgt.s32 s13, $0xFFFFFFC0;
	v0 =	vld [tilespmem:s11+$0x2030]  }
0x1f: {  	s13 =	simm.s32 @!p1 $0xFFFFFFC0  }
0x20: {  	p1 =	slt.s32 s13, $0x40  }
0x21: {  	s13 =	simm.s32 @!p1 $0x40  }
0x22: {  	s11 =	sshll.u32 s13, $0x9  }
0x23: {  	s11 =	sshra.s32 s11, $0x2;
	[tilespmem:s10+$0x10] =	vst v0  }
0x24: {  	v0 =	vld [tilespmem:s11+$0x2000];
	_ =	sdelay $0x3  }
0x25: {  	s10 =	sadd.s32 $0x80, s10  }
0x26: {  	[tilespmem:s10+$0xFFFFFFE0] =	vst v0  }
0x27: {  	v0 =	vld [tilespmem:s11+$0x2010];
	_ =	sdelay $0x4  }
0x28: {  	[tilespmem:s10+$0xFFFFFFF0] =	vst v0  }
0x29: {  	v0 =	vld [tilespmem:s11+$0x2020]  }
.Ltmp0:
0x2a: {  	(pc) =	sbr.rel @p0 .LBB2_2-.Ltmp0, $2  }
0x2b: {  	_ =	sdelay $0x2  }
0x2c: {  	s13 =	sadd.s32 s12, s6;
	s12 =	sadd.s32 $0x1, s12;
	[tilespmem:s10+$0x0] =	vst v0  }
0x2d: {  	p0 =	sgt.s32 s13, $0xFFFFFFC0;
	v0 =	vld [tilespmem:s11+$0x2030]  }
0x2e: {  	s13 =	simm.s32 @!p0 $0xFFFFFFC0  }
0x2f: {  	p0 =	slt.s32 s13, $0x40  }
0x30: {  	s13 =	simm.s32 @!p0 $0x40  }
0x31: {  	s30 =	sshll.u32 s13, $0x9  }
0x32: {  	s11 =	sshra.s32 s30, $0x2;
	[tilespmem:s10+$0x10] =	vst v0  }
0x33: {  	v0 =	vld [tilespmem:s11+$0x2000];
	_ =	sdelay $0x3  }
0x34: {  	s31 =	sadd.s32 $0x80, s10  }
0x35: {  	[tilespmem:s31+$0xFFFFFFE0] =	vst v0  }
0x36: {  	v0 =	vld [tilespmem:s11+$0x2010];
	_ =	sdelay $0x4  }
0x37: {  	[tilespmem:s31+$0xFFFFFFF0] =	vst v0  }
0x38: {  	v0 =	vld [tilespmem:s11+$0x2020];
	_ =	sdelay $0x4  }
0x39: {  	[tilespmem:s31+$0x0] =	vst v0  }
0x3a: {  	v0 =	vld [tilespmem:s11+$0x2030];
	_ =	sdelay $0x3  }
0x3b: {  	p0 =	por $0x1, $0x1  }
0x3c: {  	s11 =	simm.s32 @!p0 $0x1;
	[tilespmem:s31+$0x10] =	vst v0  }
0x3d: {  	s12 =	sadd.s32 $0x8000, s7;
	_ =	swait.ge @!p0 [sflag:s11], $0x10000  }
0x3e: {  	s14 =	smov.u32 s7;
	s13 =	simm.s32 $0xC380;
	[sflag:s11] =	ssyncset.done @!p0 $0x0  }
0x3f: {  	s10 =	simm.s32 $0x1;
	[sflag:s11] =	ssyncadd.s32 @!p0 $0xFFFF0000;
	s11 =	simm.s32 $0xC300  }
.LBB2_4:
0x40: {  	[hbm4b:s14+s3] =	stream.linear.scatter [tilespmem:s13], [sflag:$0x1], $0x10000, $0x38;
	[tilespmem:$0x1C400] =	vst v63  }
0x41: {  	p0 =	slt.u32 s10, $0x8;
	s10 =	sadd.s32 $0x1, s10  }
0x42: {  	p1 =	sne.s32 s10, $0x100  }
.Ltmp1:
0x43: {  	(pc) =	sbr.rel @p1 .LBB2_4-.Ltmp1, $4  }
0x44: {  	s13 =	smov.u32 s11;
	s15 =	simm.s32 @!p0 $0x1  }
0x45: {  	s14 =	smov.u32 s12;
	_ =	swait.ge @!p0 [sflag:s15], $0x10000  }
0x46: {  	[sflag:s15] =	ssyncset.done @!p0 $0x0  }
0x47: {  	s11 =	sadd.s32 $0xFFFFFF80, s11;
	s12 =	sadd.s32 $0x8000, s12;
	[sflag:s15] =	ssyncadd.s32 @!p0 $0xFFFF0000  }
0x48: {  	[hbm4b:s14+s3] =	stream.linear.scatter [tilespmem:s13], [sflag:$0x1], $0x10000, $0x38;
	[tilespmem:$0x1C400] =	vst v63  }
0x49: {  	_ =	swait.ge [sflag:s4], $0x10000  }
0x4a: {  	[sflag:s4] =	ssyncset.done $0x0  }
0x4b: {  	[sflag:s4] =	ssyncadd.s32 $0xFFFF0000  }
0x4c: {  	_ =	swait.ge [sflag:s4], $0x10000  }
0x4d: {  	[sflag:s4] =	ssyncset.done $0x0  }
0x4e: {  	[sflag:s4] =	ssyncadd.s32 $0xFFFF0000  }
0x4f: {  	_ =	swait.ge [sflag:s4], $0x10000  }
0x50: {  	[sflag:s4] =	ssyncset.done $0x0  }
0x51: {  	[sflag:s4] =	ssyncadd.s32 $0xFFFF0000  }
0x52: {  	_ =	swait.ge [sflag:s4], $0x10000  }
0x53: {  	[sflag:s4] =	ssyncset.done $0x0  }
0x54: {  	[sflag:s4] =	ssyncadd.s32 $0xFFFF0000  }
0x55: {  	_ =	swait.ge [sflag:s4], $0x10000  }
0x56: {  	[sflag:s4] =	ssyncset.done $0x0  }
0x57: {  	[sflag:s4] =	ssyncadd.s32 $0xFFFF0000  }
0x58: {  	_ =	swait.ge [sflag:s4], $0x10000  }
0x59: {  	[sflag:s4] =	ssyncset.done $0x0  }
0x5a: {  	s9 =	sadd.s32 $0x1, s9;
	[sflag:s4] =	ssyncadd.s32 $0xFFFF0000  }
0x5b: {  	p0 =	sne.s32 s9, s5;
	_ =	swait.ge [sflag:s4], $0x10000  }
.Ltmp2:
0x5c: {  	[sflag:s4] =	ssyncset.done $0x0;
	(pc) =	sbr.rel @p0 .LBB2_1-.Ltmp2, $4  }
0x5d: {  	[sflag:s4] =	ssyncadd.s32 $0xFFFF0000  }
0x5e: {  	_ =	swait.ge [sflag:s4], $0x10000  }
0x5f: {  	[sflag:s4] =	ssyncset.done $0x0  }
0x60: {  	[sflag:s4] =	ssyncadd.s32 $0xFFFF0000  }
0x61: {  	_ =	sfence.sel $0x180000  }
0x62: {  	[bflag:$0x0] =	sbarrier.arrive $0xFFFF  }
0x63: {  	p0 =	sne.s32 s0, $0x0;
	_ =	strace $0x90000047  }
0x64: {  	s0 =	sadd.s32 @!p0 $0x100000, s1;
	[bflag:$0x2] =	sbarrier.arrive $0xFFFF  }
0x65: {  	[sflag:s0] =	ssyncadd.tile.s32 @!p0 $0x1;
	_ =	shalt  }
.Lfunc_end2:
_tile_overlayer_lowered:
.L_overlay_start_2:
0x66: {  	(tag) =	ssettag $0x2  }
0x67: {  	s0 =	rddreg [dreg:$0x0];
	s2 =	stileid.u32  }
0x68: {  	s1 =	rddreg [dreg:$0x1];
	p0 =	sne.s32 s2, $0x0  }
0x69: {  	s3 =	rddreg [dreg:$0x2];
	[bflag:$0x3] =	sbarrier.arrive $0xFFFF;
	s2 =	simm.s32 @!p0 $0x1C02  }
0x6a: {  	[timem:s3], [sflag:s2] =	dma.local @!p0 [hbm:s0], s1  }
0x6b: {  	s0 =	simm.s32 @!p0 $0x2  }
0x6c: {  	_ =	swait.ge @!p0 [sflag:s0], s1  }
0x6d: {  	s1 =	ssub.s32 @!p0 $0x0, s1;
	[sflag:s0] =	ssyncset.done @!p0 $0x0  }
0x6e: {  	[sflag:s0] =	ssyncadd.s32 @!p0 s1  }
0x6f: {  	[bflag:$0x3] =	sbarrier.arrive $0xFFFF  }
0x70: {  	_ =	shalt  }

</sc_bundles>
